<compile_context>
chip_gen: v7x
topology: tpu7x:2x2x1
jax: 0.10.2.dev20260603
libtpu: 0.0.44.dev20260713+nightly
codegen_flags: <defaults>
</compile_context>

<pallas_src>
import functools

import jax
import jax.numpy as jnp
from jax import lax
from jax.experimental import pallas as pl
from jax.experimental.pallas import tpu as pltpu

_TMP = 0.1
_FMP = 0.1

_NBUF = 8
_CHUNKS_PER_B = 2


def _ring_body(x_hbm, tm_hbm, fm_hbm, o_hbm, ibufs, obufs, tmv, fmv,
               in_sems, out_sems, msk_sem, *, B, Fd, T, nchunks):
    rows = Fd // nchunks
    total = B * nchunks

    def in_copy(i, slot):
        b = i // nchunks
        c = lax.rem(i, nchunks)
        return pltpu.make_async_copy(
            x_hbm.at[b, pl.ds(c * rows, rows), :], ibufs.at[slot], in_sems.at[slot]
        )

    def out_copy(i, slot):
        b = i // nchunks
        c = lax.rem(i, nchunks)
        return pltpu.make_async_copy(
            obufs.at[slot], o_hbm.at[b, pl.ds(c * rows, rows), :], out_sems.at[slot]
        )

    tm_dma = pltpu.make_async_copy(tm_hbm, tmv, msk_sem)
    fm_dma = pltpu.make_async_copy(fm_hbm, fmv, msk_sem)
    tm_dma.start()
    fm_dma.start()
    for s in range(_NBUF):
        in_copy(s, s).start()
    tm_dma.wait()
    fm_dma.wait()

    def step(i, _):
        slot = lax.rem(i, _NBUF)
        b = i // nchunks
        c = lax.rem(i, nchunks)

        in_copy(i, slot).wait()

        @pl.when(i >= _NBUF)
        def _():
            out_copy(i - _NBUF, slot).wait()

        fm_rows = fmv[b, pl.ds(c * rows, rows), :]
        obufs[slot] = ibufs[slot] * tmv[b] * fm_rows

        out_copy(i, slot).start()

        @pl.when(i + _NBUF < total)
        def _():
            in_copy(i + _NBUF, slot).start()

        return 0

    lax.fori_loop(0, total, step, 0, unroll=False)

    for s in range(_NBUF):
        i = total - _NBUF + s
        out_copy(i, lax.rem(i, _NBUF)).wait()


def kernel(spec):
    B, C, Fd, T = spec.shape
    tlen = int(T * _TMP)
    flen = int(Fd * _FMP)
    kt = jax.random.fold_in(jax.random.key(1), 0)
    t0 = jax.random.randint(kt, (B,), 0, max(1, T - tlen + 1))
    kf = jax.random.fold_in(jax.random.key(1), 1)
    f0 = jax.random.randint(kf, (B,), 0, max(1, Fd - flen + 1))

    tidx = jnp.arange(T)[None, :]
    tmask = ((tidx < t0[:, None]) | (tidx >= (t0 + tlen)[:, None])).astype(jnp.float32)
    fidx = jnp.arange(Fd)[None, :]
    fmask = ((fidx < f0[:, None]) | (fidx >= (f0 + flen)[:, None])).astype(jnp.float32)

    x = spec.reshape(B, C * Fd, T)
    nchunks = _CHUNKS_PER_B
    rows = (C * Fd) // nchunks
    body = functools.partial(_ring_body, B=B, Fd=C * Fd, T=T, nchunks=nchunks)
    out = pl.pallas_call(
        body,
        grid=(),
        in_specs=[
            pl.BlockSpec(memory_space=pl.ANY),
            pl.BlockSpec(memory_space=pl.ANY),
            pl.BlockSpec(memory_space=pl.ANY),
        ],
        out_specs=pl.BlockSpec(memory_space=pl.ANY),
        out_shape=jax.ShapeDtypeStruct(x.shape, x.dtype),
        scratch_shapes=[
            pltpu.VMEM((_NBUF, rows, T), jnp.float32),
            pltpu.VMEM((_NBUF, rows, T), jnp.float32),
            pltpu.VMEM((B, T), jnp.float32),
            pltpu.VMEM((B, C * Fd, 1), jnp.float32),
            pltpu.SemaphoreType.DMA((_NBUF,)),
            pltpu.SemaphoreType.DMA((_NBUF,)),
            pltpu.SemaphoreType.DMA,
        ],
    )(x, tmask, fmask[:, :, None])
    return out.reshape(B, C, Fd, T)

# --- scband reference (transcript-rebuilt; emitter-appended) ---
"""Pipeline reference for scband-spec-aug-18184891531451 (READ-ONLY COPY).

The authoritative reference and input builder live on the scoring server;
editing this copy changes nothing except your own understanding.
"""

import jax, jax.numpy as jnp
import numpy as np

TMP = 0.1
FMP = 0.1


def setup_inputs(seed: int = 0) -> dict:
    key = jax.random.key(seed)
    spec = jax.random.normal(key, (64, 1, 128, 4000), dtype=jnp.float32)
    return {"spec": spec}


def reference(spec):
    B, C, Fd, T = spec.shape
    tlen = int(T * TMP)
    flen = int(Fd * FMP)
    out = spec
    if tlen > 0:
        kt = jax.random.fold_in(jax.random.key(1), 0)
        t0 = jax.random.randint(kt, (B,), 0, max(1, T - tlen + 1))
        tidx = jnp.arange(T)[None, :]
        tmask = (tidx >= t0[:, None]) & (tidx < (t0 + tlen)[:, None])
        out = jnp.where(tmask[:, None, None, :], jnp.float32(0.0), out)
    if flen > 0:
        kf = jax.random.fold_in(jax.random.key(1), 1)
        f0 = jax.random.randint(kf, (B,), 0, max(1, Fd - flen + 1))
        fidx = jnp.arange(Fd)[None, :]
        fmask = (fidx >= f0[:, None]) & (fidx < (f0 + flen)[:, None])
        out = jnp.where(fmask[:, None, :, None], jnp.float32(0.0), out)
    return out

if __name__ == "__main__":
    import jax
    _d = setup_inputs()
    print(jax.jit(kernel)(*tuple(_d.values())))

</pallas_src>

<mosaic_0001>
module attributes {stable_mosaic.version = 14 : i64} {
  func.func @_ring_body(%arg0: memref<64x128x4000xf32, #tpu.memory_space<any>>, %arg1: memref<64x4000xf32, #tpu.memory_space<any>>, %arg2: memref<64x128x1xf32, #tpu.memory_space<any>>, %arg3: memref<64x128x4000xf32, #tpu.memory_space<any>>, %arg4: memref<8x64x4000xf32, #tpu.memory_space<vmem>>, %arg5: memref<8x64x4000xf32, #tpu.memory_space<vmem>>, %arg6: memref<64x4000xf32, #tpu.memory_space<vmem>>, %arg7: memref<64x128x1xf32, #tpu.memory_space<vmem>>, %arg8: memref<8x!tpu.dma_semaphore, #tpu.memory_space<semaphore_mem>>, %arg9: memref<8x!tpu.dma_semaphore, #tpu.memory_space<semaphore_mem>>, %arg10: memref<!tpu.dma_semaphore, #tpu.memory_space<semaphore_mem>>) attributes {dimension_semantics = [], scalar_prefetch = 0 : i64, scratch_operands = 7 : i64, tpu.core_type = #tpu.core_type<tc>} {
    tpu.enqueue_dma source(%arg1 : memref<64x4000xf32, #tpu.memory_space<any>>) target(%arg6 : memref<64x4000xf32, #tpu.memory_space<vmem>>) target_semaphore(%arg10 : memref<!tpu.dma_semaphore, #tpu.memory_space<semaphore_mem>>)
    tpu.enqueue_dma source(%arg2 : memref<64x128x1xf32, #tpu.memory_space<any>>) target(%arg7 : memref<64x128x1xf32, #tpu.memory_space<vmem>>) target_semaphore(%arg10 : memref<!tpu.dma_semaphore, #tpu.memory_space<semaphore_mem>>)
    %rem3A = arith.constant 0 : i32
    %rem3A_0 = arith.constant 2 : i32
    %rem3A_1 = arith.remsi %rem3A, %rem3A_0 : i32
    %mul3A = arith.constant 64 : i32
    %mul3A_2 = arith.muli %rem3A_1, %mul3A : i32
    %dma_start3A = arith.constant 0 : i32
    %dma_start3A_3 = arith.constant 0 : i32
    %dma_start3A_4 = arith.constant 0 : i32
    %dma_start3A_5 = tpu.memref_slice %arg8[%dma_start3A_4] : memref<8x!tpu.dma_semaphore, #tpu.memory_space<semaphore_mem>> -> memref<1x!tpu.dma_semaphore, #tpu.memory_space<semaphore_mem>>
    %dma_start3A_6 = tpu.memref_squeeze %dma_start3A_5 : memref<1x!tpu.dma_semaphore, #tpu.memory_space<semaphore_mem>> -> memref<!tpu.dma_semaphore, #tpu.memory_space<semaphore_mem>>
    %dma_start3A_7 = arith.constant 0 : i32
    %dma_start3A_8 = arith.constant 0 : i32
    %dma_start3A_9 = tpu.memref_slice %arg4[%dma_start3A_3, %dma_start3A_7, %dma_start3A_8] : memref<8x64x4000xf32, #tpu.memory_space<vmem>> -> memref<1x64x4000xf32, #tpu.memory_space<vmem>>
    %dma_start3A_10 = tpu.memref_squeeze %dma_start3A_9 : memref<1x64x4000xf32, #tpu.memory_space<vmem>> -> memref<64x4000xf32, #tpu.memory_space<vmem>>
    %dma_start3A_11 = arith.constant 0 : i32
    %dma_start3A_12 = tpu.memref_slice %arg0[%dma_start3A, %mul3A_2, %dma_start3A_11] : memref<64x128x4000xf32, #tpu.memory_space<any>> -> memref<1x64x4000xf32, #tpu.memory_space<any>>
    %dma_start3A_13 = tpu.memref_squeeze %dma_start3A_12 : memref<1x64x4000xf32, #tpu.memory_space<any>> -> memref<64x4000xf32, #tpu.memory_space<any>>
    tpu.enqueue_dma source(%dma_start3A_13 : memref<64x4000xf32, #tpu.memory_space<any>>) target(%dma_start3A_10 : memref<64x4000xf32, #tpu.memory_space<vmem>>) target_semaphore(%dma_start3A_6 : memref<!tpu.dma_semaphore, #tpu.memory_space<semaphore_mem>>)
    %rem3A_14 = arith.constant 1 : i32
    %rem3A_15 = arith.constant 2 : i32
    %rem3A_16 = arith.remsi %rem3A_14, %rem3A_15 : i32
    %mul3A_17 = arith.constant 64 : i32
    %mul3A_18 = arith.muli %rem3A_16, %mul3A_17 : i32
    %dma_start3A_19 = arith.constant 0 : i32
    %dma_start3A_20 = arith.constant 1 : i32
    %dma_start3A_21 = arith.constant 1 : i32
    %dma_start3A_22 = tpu.memref_slice %arg8[%dma_start3A_21] : memref<8x!tpu.dma_semaphore, #tpu.memory_space<semaphore_mem>> -> memref<1x!tpu.dma_semaphore, #tpu.memory_space<semaphore_mem>>
    %dma_start3A_23 = tpu.memref_squeeze %dma_start3A_22 : memref<1x!tpu.dma_semaphore, #tpu.memory_space<semaphore_mem>> -> memref<!tpu.dma_semaphore, #tpu.memory_space<semaphore_mem>>
    %dma_start3A_24 = arith.constant 0 : i32
    %dma_start3A_25 = arith.constant 0 : i32
    %dma_start3A_26 = tpu.memref_slice %arg4[%dma_start3A_20, %dma_start3A_24, %dma_start3A_25] : memref<8x64x4000xf32, #tpu.memory_space<vmem>> -> memref<1x64x4000xf32, #tpu.memory_space<vmem>>
    %dma_start3A_27 = tpu.memref_squeeze %dma_start3A_26 : memref<1x64x4000xf32, #tpu.memory_space<vmem>> -> memref<64x4000xf32, #tpu.memory_space<vmem>>
    %dma_start3A_28 = arith.constant 0 : i32
    %dma_start3A_29 = tpu.memref_slice %arg0[%dma_start3A_19, %mul3A_18, %dma_start3A_28] : memref<64x128x4000xf32, #tpu.memory_space<any>> -> memref<1x64x4000xf32, #tpu.memory_space<any>>
    %dma_start3A_30 = tpu.memref_squeeze %dma_start3A_29 : memref<1x64x4000xf32, #tpu.memory_space<any>> -> memref<64x4000xf32, #tpu.memory_space<any>>
    tpu.enqueue_dma source(%dma_start3A_30 : memref<64x4000xf32, #tpu.memory_space<any>>) target(%dma_start3A_27 : memref<64x4000xf32, #tpu.memory_space<vmem>>) target_semaphore(%dma_start3A_23 : memref<!tpu.dma_semaphore, #tpu.memory_space<semaphore_mem>>)
    %rem3A_31 = arith.constant 2 : i32
    %rem3A_32 = arith.constant 2 : i32
    %rem3A_33 = arith.remsi %rem3A_31, %rem3A_32 : i32
    %mul3A_34 = arith.constant 64 : i32
    %mul3A_35 = arith.muli %rem3A_33, %mul3A_34 : i32
    %dma_start3A_36 = arith.constant 1 : i32
    %dma_start3A_37 = arith.constant 2 : i32
    %dma_start3A_38 = arith.constant 2 : i32
    %dma_start3A_39 = tpu.memref_slice %arg8[%dma_start3A_38] : memref<8x!tpu.dma_semaphore, #tpu.memory_space<semaphore_mem>> -> memref<1x!tpu.dma_semaphore, #tpu.memory_space<semaphore_mem>>
    %dma_start3A_40 = tpu.memref_squeeze %dma_start3A_39 : memref<1x!tpu.dma_semaphore, #tpu.memory_space<semaphore_mem>> -> memref<!tpu.dma_semaphore, #tpu.memory_space<semaphore_mem>>
    %dma_start3A_41 = arith.constant 0 : i32
    %dma_start3A_42 = arith.constant 0 : i32
    %dma_start3A_43 = tpu.memref_slice %arg4[%dma_start3A_37, %dma_start3A_41, %dma_start3A_42] : memref<8x64x4000xf32, #tpu.memory_space<vmem>> -> memref<1x64x4000xf32, #tpu.memory_space<vmem>>
    %dma_start3A_44 = tpu.memref_squeeze %dma_start3A_43 : memref<1x64x4000xf32, #tpu.memory_space<vmem>> -> memref<64x4000xf32, #tpu.memory_space<vmem>>
    %dma_start3A_45 = arith.constant 0 : i32
    %dma_start3A_46 = tpu.memref_slice %arg0[%dma_start3A_36, %mul3A_35, %dma_start3A_45] : memref<64x128x4000xf32, #tpu.memory_space<any>> -> memref<1x64x4000xf32, #tpu.memory_space<any>>
    %dma_start3A_47 = tpu.memref_squeeze %dma_start3A_46 : memref<1x64x4000xf32, #tpu.memory_space<any>> -> memref<64x4000xf32, #tpu.memory_space<any>>
    tpu.enqueue_dma source(%dma_start3A_47 : memref<64x4000xf32, #tpu.memory_space<any>>) target(%dma_start3A_44 : memref<64x4000xf32, #tpu.memory_space<vmem>>) target_semaphore(%dma_start3A_40 : memref<!tpu.dma_semaphore, #tpu.memory_space<semaphore_mem>>)
    %rem3A_48 = arith.constant 3 : i32
    %rem3A_49 = arith.constant 2 : i32
    %rem3A_50 = arith.remsi %rem3A_48, %rem3A_49 : i32
    %mul3A_51 = arith.constant 64 : i32
    %mul3A_52 = arith.muli %rem3A_50, %mul3A_51 : i32
    %dma_start3A_53 = arith.constant 1 : i32
    %dma_start3A_54 = arith.constant 3 : i32
    %dma_start3A_55 = arith.constant 3 : i32
    %dma_start3A_56 = tpu.memref_slice %arg8[%dma_start3A_55] : memref<8x!tpu.dma_semaphore, #tpu.memory_space<semaphore_mem>> -> memref<1x!tpu.dma_semaphore, #tpu.memory_space<semaphore_mem>>
    %dma_start3A_57 = tpu.memref_squeeze %dma_start3A_56 : memref<1x!tpu.dma_semaphore, #tpu.memory_space<semaphore_mem>> -> memref<!tpu.dma_semaphore, #tpu.memory_space<semaphore_mem>>
    %dma_start3A_58 = arith.constant 0 : i32
    %dma_start3A_59 = arith.constant 0 : i32
    %dma_start3A_60 = tpu.memref_slice %arg4[%dma_start3A_54, %dma_start3A_58, %dma_start3A_59] : memref<8x64x4000xf32, #tpu.memory_space<vmem>> -> memref<1x64x4000xf32, #tpu.memory_space<vmem>>
    %dma_start3A_61 = tpu.memref_squeeze %dma_start3A_60 : memref<1x64x4000xf32, #tpu.memory_space<vmem>> -> memref<64x4000xf32, #tpu.memory_space<vmem>>
    %dma_start3A_62 = arith.constant 0 : i32
    %dma_start3A_63 = tpu.memref_slice %arg0[%dma_start3A_53, %mul3A_52, %dma_start3A_62] : memref<64x128x4000xf32, #tpu.memory_space<any>> -> memref<1x64x4000xf32, #tpu.memory_space<any>>
    %dma_start3A_64 = tpu.memref_squeeze %dma_start3A_63 : memref<1x64x4000xf32, #tpu.memory_space<any>> -> memref<64x4000xf32, #tpu.memory_space<any>>
    tpu.enqueue_dma source(%dma_start3A_64 : memref<64x4000xf32, #tpu.memory_space<any>>) target(%dma_start3A_61 : memref<64x4000xf32, #tpu.memory_space<vmem>>) target_semaphore(%dma_start3A_57 : memref<!tpu.dma_semaphore, #tpu.memory_space<semaphore_mem>>)
    %rem3A_65 = arith.constant 4 : i32
    %rem3A_66 = arith.constant 2 : i32
    %rem3A_67 = arith.remsi %rem3A_65, %rem3A_66 : i32
    %mul3A_68 = arith.constant 64 : i32
    %mul3A_69 = arith.muli %rem3A_67, %mul3A_68 : i32
    %dma_start3A_70 = arith.constant 2 : i32
    %dma_start3A_71 = arith.constant 4 : i32
    %dma_start3A_72 = arith.constant 4 : i32
    %dma_start3A_73 = tpu.memref_slice %arg8[%dma_start3A_72] : memref<8x!tpu.dma_semaphore, #tpu.memory_space<semaphore_mem>> -> memref<1x!tpu.dma_semaphore, #tpu.memory_space<semaphore_mem>>
    %dma_start3A_74 = tpu.memref_squeeze %dma_start3A_73 : memref<1x!tpu.dma_semaphore, #tpu.memory_space<semaphore_mem>> -> memref<!tpu.dma_semaphore, #tpu.memory_space<semaphore_mem>>
    %dma_start3A_75 = arith.constant 0 : i32
    %dma_start3A_76 = arith.constant 0 : i32
    %dma_start3A_77 = tpu.memref_slice %arg4[%dma_start3A_71, %dma_start3A_75, %dma_start3A_76] : memref<8x64x4000xf32, #tpu.memory_space<vmem>> -> memref<1x64x4000xf32, #tpu.memory_space<vmem>>
    %dma_start3A_78 = tpu.memref_squeeze %dma_start3A_77 : memref<1x64x4000xf32, #tpu.memory_space<vmem>> -> memref<64x4000xf32, #tpu.memory_space<vmem>>
    %dma_start3A_79 = arith.constant 0 : i32
    %dma_start3A_80 = tpu.memref_slice %arg0[%dma_start3A_70, %mul3A_69, %dma_start3A_79] : memref<64x128x4000xf32, #tpu.memory_space<any>> -> memref<1x64x4000xf32, #tpu.memory_space<any>>
    %dma_start3A_81 = tpu.memref_squeeze %dma_start3A_80 : memref<1x64x4000xf32, #tpu.memory_space<any>> -> memref<64x4000xf32, #tpu.memory_space<any>>
    tpu.enqueue_dma source(%dma_start3A_81 : memref<64x4000xf32, #tpu.memory_space<any>>) target(%dma_start3A_78 : memref<64x4000xf32, #tpu.memory_space<vmem>>) target_semaphore(%dma_start3A_74 : memref<!tpu.dma_semaphore, #tpu.memory_space<semaphore_mem>>)
    %rem3A_82 = arith.constant 5 : i32
    %rem3A_83 = arith.constant 2 : i32
    %rem3A_84 = arith.remsi %rem3A_82, %rem3A_83 : i32
    %mul3A_85 = arith.constant 64 : i32
    %mul3A_86 = arith.muli %rem3A_84, %mul3A_85 : i32
    %dma_start3A_87 = arith.constant 2 : i32
    %dma_start3A_88 = arith.constant 5 : i32
    %dma_start3A_89 = arith.constant 5 : i32
    %dma_start3A_90 = tpu.memref_slice %arg8[%dma_start3A_89] : memref<8x!tpu.dma_semaphore, #tpu.memory_space<semaphore_mem>> -> memref<1x!tpu.dma_semaphore, #tpu.memory_space<semaphore_mem>>
    %dma_start3A_91 = tpu.memref_squeeze %dma_start3A_90 : memref<1x!tpu.dma_semaphore, #tpu.memory_space<semaphore_mem>> -> memref<!tpu.dma_semaphore, #tpu.memory_space<semaphore_mem>>
    %dma_start3A_92 = arith.constant 0 : i32
    %dma_start3A_93 = arith.constant 0 : i32
    %dma_start3A_94 = tpu.memref_slice %arg4[%dma_start3A_88, %dma_start3A_92, %dma_start3A_93] : memref<8x64x4000xf32, #tpu.memory_space<vmem>> -> memref<1x64x4000xf32, #tpu.memory_space<vmem>>
    %dma_start3A_95 = tpu.memref_squeeze %dma_start3A_94 : memref<1x64x4000xf32, #tpu.memory_space<vmem>> -> memref<64x4000xf32, #tpu.memory_space<vmem>>
    %dma_start3A_96 = arith.constant 0 : i32
    %dma_start3A_97 = tpu.memref_slice %arg0[%dma_start3A_87, %mul3A_86, %dma_start3A_96] : memref<64x128x4000xf32, #tpu.memory_space<any>> -> memref<1x64x4000xf32, #tpu.memory_space<any>>
    %dma_start3A_98 = tpu.memref_squeeze %dma_start3A_97 : memref<1x64x4000xf32, #tpu.memory_space<any>> -> memref<64x4000xf32, #tpu.memory_space<any>>
    tpu.enqueue_dma source(%dma_start3A_98 : memref<64x4000xf32, #tpu.memory_space<any>>) target(%dma_start3A_95 : memref<64x4000xf32, #tpu.memory_space<vmem>>) target_semaphore(%dma_start3A_91 : memref<!tpu.dma_semaphore, #tpu.memory_space<semaphore_mem>>)
    %rem3A_99 = arith.constant 6 : i32
    %rem3A_100 = arith.constant 2 : i32
    %rem3A_101 = arith.remsi %rem3A_99, %rem3A_100 : i32
    %mul3A_102 = arith.constant 64 : i32
    %mul3A_103 = arith.muli %rem3A_101, %mul3A_102 : i32
    %dma_start3A_104 = arith.constant 3 : i32
    %dma_start3A_105 = arith.constant 6 : i32
    %dma_start3A_106 = arith.constant 6 : i32
    %dma_start3A_107 = tpu.memref_slice %arg8[%dma_start3A_106] : memref<8x!tpu.dma_semaphore, #tpu.memory_space<semaphore_mem>> -> memref<1x!tpu.dma_semaphore, #tpu.memory_space<semaphore_mem>>
    %dma_start3A_108 = tpu.memref_squeeze %dma_start3A_107 : memref<1x!tpu.dma_semaphore, #tpu.memory_space<semaphore_mem>> -> memref<!tpu.dma_semaphore, #tpu.memory_space<semaphore_mem>>
    %dma_start3A_109 = arith.constant 0 : i32
    %dma_start3A_110 = arith.constant 0 : i32
    %dma_start3A_111 = tpu.memref_slice %arg4[%dma_start3A_105, %dma_start3A_109, %dma_start3A_110] : memref<8x64x4000xf32, #tpu.memory_space<vmem>> -> memref<1x64x4000xf32, #tpu.memory_space<vmem>>
    %dma_start3A_112 = tpu.memref_squeeze %dma_start3A_111 : memref<1x64x4000xf32, #tpu.memory_space<vmem>> -> memref<64x4000xf32, #tpu.memory_space<vmem>>
    %dma_start3A_113 = arith.constant 0 : i32
    %dma_start3A_114 = tpu.memref_slice %arg0[%dma_start3A_104, %mul3A_103, %dma_start3A_113] : memref<64x128x4000xf32, #tpu.memory_space<any>> -> memref<1x64x4000xf32, #tpu.memory_space<any>>
    %dma_start3A_115 = tpu.memref_squeeze %dma_start3A_114 : memref<1x64x4000xf32, #tpu.memory_space<any>> -> memref<64x4000xf32, #tpu.memory_space<any>>
    tpu.enqueue_dma source(%dma_start3A_115 : memref<64x4000xf32, #tpu.memory_space<any>>) target(%dma_start3A_112 : memref<64x4000xf32, #tpu.memory_space<vmem>>) target_semaphore(%dma_start3A_108 : memref<!tpu.dma_semaphore, #tpu.memory_space<semaphore_mem>>)
    %rem3A_116 = arith.constant 7 : i32
    %rem3A_117 = arith.constant 2 : i32
    %rem3A_118 = arith.remsi %rem3A_116, %rem3A_117 : i32
    %mul3A_119 = arith.constant 64 : i32
    %mul3A_120 = arith.muli %rem3A_118, %mul3A_119 : i32
    %dma_start3A_121 = arith.constant 3 : i32
    %dma_start3A_122 = arith.constant 7 : i32
    %dma_start3A_123 = arith.constant 7 : i32
    %dma_start3A_124 = tpu.memref_slice %arg8[%dma_start3A_123] : memref<8x!tpu.dma_semaphore, #tpu.memory_space<semaphore_mem>> -> memref<1x!tpu.dma_semaphore, #tpu.memory_space<semaphore_mem>>
    %dma_start3A_125 = tpu.memref_squeeze %dma_start3A_124 : memref<1x!tpu.dma_semaphore, #tpu.memory_space<semaphore_mem>> -> memref<!tpu.dma_semaphore, #tpu.memory_space<semaphore_mem>>
    %dma_start3A_126 = arith.constant 0 : i32
    %dma_start3A_127 = arith.constant 0 : i32
    %dma_start3A_128 = tpu.memref_slice %arg4[%dma_start3A_122, %dma_start3A_126, %dma_start3A_127] : memref<8x64x4000xf32, #tpu.memory_space<vmem>> -> memref<1x64x4000xf32, #tpu.memory_space<vmem>>
    %dma_start3A_129 = tpu.memref_squeeze %dma_start3A_128 : memref<1x64x4000xf32, #tpu.memory_space<vmem>> -> memref<64x4000xf32, #tpu.memory_space<vmem>>
    %dma_start3A_130 = arith.constant 0 : i32
    %dma_start3A_131 = tpu.memref_slice %arg0[%dma_start3A_121, %mul3A_120, %dma_start3A_130] : memref<64x128x4000xf32, #tpu.memory_space<any>> -> memref<1x64x4000xf32, #tpu.memory_space<any>>
    %dma_start3A_132 = tpu.memref_squeeze %dma_start3A_131 : memref<1x64x4000xf32, #tpu.memory_space<any>> -> memref<64x4000xf32, #tpu.memory_space<any>>
    tpu.enqueue_dma source(%dma_start3A_132 : memref<64x4000xf32, #tpu.memory_space<any>>) target(%dma_start3A_129 : memref<64x4000xf32, #tpu.memory_space<vmem>>) target_semaphore(%dma_start3A_125 : memref<!tpu.dma_semaphore, #tpu.memory_space<semaphore_mem>>)
    tpu.wait_dma2 semaphore(%arg10 : memref<!tpu.dma_semaphore, #tpu.memory_space<semaphore_mem>>) src(%arg1 : memref<64x4000xf32, #tpu.memory_space<any>>) dst(%arg6 : memref<64x4000xf32, #tpu.memory_space<vmem>>)
    tpu.wait_dma2 semaphore(%arg10 : memref<!tpu.dma_semaphore, #tpu.memory_space<semaphore_mem>>) src(%arg2 : memref<64x128x1xf32, #tpu.memory_space<any>>) dst(%arg7 : memref<64x128x1xf32, #tpu.memory_space<vmem>>)
    %scan3A = arith.constant 0 : i32
    %scan3A_133 = arith.constant 128 : i32
    %scan3A_134 = arith.addi %scan3A, %scan3A_133 : i32
    %scan3A_135 = arith.constant 1 : i32
    scf.for %scan3A_280 = %scan3A to %scan3A_134 step %scan3A_135  : i32 {
      %rem3A_281 = arith.constant 8 : i32
      %rem3A_282 = arith.remsi %scan3A_280, %rem3A_281 : i32
      %jit3A = arith.constant 2 : i32
      %div3A = arith.divsi %scan3A_280, %jit3A : i32
      %sign3A = arith.constant 0 : i32
      %sign3A_283 = arith.cmpi sgt, %scan3A_280, %sign3A : i32
      %sign3A_284 = arith.extui %sign3A_283 : i1 to i32
      %sign3A_285 = arith.constant 0 : i32
      %sign3A_286 = arith.cmpi slt, %scan3A_280, %sign3A_285 : i32
      %sign3A_287 = arith.extui %sign3A_286 : i1 to i32
      %sign3A_288 = arith.subi %sign3A_284, %sign3A_287 : i32
      %sign3A_289 = arith.constant 0 : i32
      %sign3A_290 = arith.cmpi sgt, %jit3A, %sign3A_289 : i32
      %sign3A_291 = arith.extui %sign3A_290 : i1 to i32
      %sign3A_292 = arith.constant 0 : i32
      %sign3A_293 = arith.cmpi slt, %jit3A, %sign3A_292 : i32
      %sign3A_294 = arith.extui %sign3A_293 : i1 to i32
      %sign3A_295 = arith.subi %sign3A_291, %sign3A_294 : i32
      %ne3A = arith.cmpi ne, %sign3A_288, %sign3A_295 : i32
      %rem3A_296 = arith.remsi %scan3A_280, %jit3A : i32
      %ne3A_297 = arith.constant 0 : i32
      %ne3A_298 = arith.cmpi ne, %rem3A_296, %ne3A_297 : i32
      %and3A = arith.andi %ne3A, %ne3A_298 : i1
      %sub3A = arith.constant 1 : i32
      %sub3A_299 = arith.subi %div3A, %sub3A : i32
      %select_n3A = arith.select %and3A, %sub3A_299, %div3A : i32
      %rem3A_300 = arith.constant 2 : i32
      %rem3A_301 = arith.remsi %scan3A_280, %rem3A_300 : i32
      %jit3A_302 = arith.constant 2 : i32
      %div3A_303 = arith.divsi %scan3A_280, %jit3A_302 : i32
      %sign3A_304 = arith.constant 0 : i32
      %sign3A_305 = arith.cmpi sgt, %scan3A_280, %sign3A_304 : i32
      %sign3A_306 = arith.extui %sign3A_305 : i1 to i32
      %sign3A_307 = arith.constant 0 : i32
      %sign3A_308 = arith.cmpi slt, %scan3A_280, %sign3A_307 : i32
      %sign3A_309 = arith.extui %sign3A_308 : i1 to i32
      %sign3A_310 = arith.subi %sign3A_306, %sign3A_309 : i32
      %sign3A_311 = arith.constant 0 : i32
      %sign3A_312 = arith.cmpi sgt, %jit3A_302, %sign3A_311 : i32
      %sign3A_313 = arith.extui %sign3A_312 : i1 to i32
      %sign3A_314 = arith.constant 0 : i32
      %sign3A_315 = arith.cmpi slt, %jit3A_302, %sign3A_314 : i32
      %sign3A_316 = arith.extui %sign3A_315 : i1 to i32
      %sign3A_317 = arith.subi %sign3A_313, %sign3A_316 : i32
      %ne3A_318 = arith.cmpi ne, %sign3A_310, %sign3A_317 : i32
      %rem3A_319 = arith.remsi %scan3A_280, %jit3A_302 : i32
      %ne3A_320 = arith.constant 0 : i32
      %ne3A_321 = arith.cmpi ne, %rem3A_319, %ne3A_320 : i32
      %and3A_322 = arith.andi %ne3A_318, %ne3A_321 : i1
      %sub3A_323 = arith.constant 1 : i32
      %sub3A_324 = arith.subi %div3A_303, %sub3A_323 : i32
      %select_n3A_325 = arith.select %and3A_322, %sub3A_324, %div3A_303 : i32
      %rem3A_326 = arith.constant 2 : i32
      %rem3A_327 = arith.remsi %scan3A_280, %rem3A_326 : i32
      %mul3A_328 = arith.constant 64 : i32
      %mul3A_329 = arith.muli %rem3A_327, %mul3A_328 : i32
      %dma_wait3A_330 = tpu.memref_slice %arg8[%rem3A_282] : memref<8x!tpu.dma_semaphore, #tpu.memory_space<semaphore_mem>> -> memref<1x!tpu.dma_semaphore, #tpu.memory_space<semaphore_mem>>
      %dma_wait3A_331 = tpu.memref_squeeze %dma_wait3A_330 : memref<1x!tpu.dma_semaphore, #tpu.memory_space<semaphore_mem>> -> memref<!tpu.dma_semaphore, #tpu.memory_space<semaphore_mem>>
      %dma_wait3A_332 = arith.constant 0 : i32
      %dma_wait3A_333 = arith.constant 0 : i32
      %dma_wait3A_334 = tpu.memref_slice %arg4[%rem3A_282, %dma_wait3A_332, %dma_wait3A_333] : memref<8x64x4000xf32, #tpu.memory_space<vmem>> -> memref<1x64x4000xf32, #tpu.memory_space<vmem>>
      %dma_wait3A_335 = tpu.memref_squeeze %dma_wait3A_334 : memref<1x64x4000xf32, #tpu.memory_space<vmem>> -> memref<64x4000xf32, #tpu.memory_space<vmem>>
      %dma_wait3A_336 = arith.constant 0 : i32
      %dma_wait3A_337 = tpu.memref_slice %arg0[%select_n3A_325, %mul3A_329, %dma_wait3A_336] : memref<64x128x4000xf32, #tpu.memory_space<any>> -> memref<1x64x4000xf32, #tpu.memory_space<any>>
      %dma_wait3A_338 = tpu.memref_squeeze %dma_wait3A_337 : memref<1x64x4000xf32, #tpu.memory_space<any>> -> memref<64x4000xf32, #tpu.memory_space<any>>
      tpu.wait_dma2 semaphore(%dma_wait3A_331 : memref<!tpu.dma_semaphore, #tpu.memory_space<semaphore_mem>>) src(%dma_wait3A_338 : memref<64x4000xf32, #tpu.memory_space<any>>) dst(%dma_wait3A_335 : memref<64x4000xf32, #tpu.memory_space<vmem>>)
      %ge3A = arith.constant 8 : i32
      %ge3A_339 = arith.cmpi sge, %scan3A_280, %ge3A : i32
      %convert_element_type3A = arith.extui %ge3A_339 : i1 to i32
      %cond3A = arith.constant 0 : i32
      %cond3A_340 = arith.cmpi ne, %convert_element_type3A, %cond3A : i32
      scf.if %cond3A_340 {
        %sub3A_407 = arith.constant 8 : i32
        %sub3A_408 = arith.subi %scan3A_280, %sub3A_407 : i32
        %jit3A_409 = arith.constant 2 : i32
        %div3A_410 = arith.divsi %sub3A_408, %jit3A_409 : i32
        %sign3A_411 = arith.constant 0 : i32
        %sign3A_412 = arith.cmpi sgt, %sub3A_408, %sign3A_411 : i32
        %sign3A_413 = arith.extui %sign3A_412 : i1 to i32
        %sign3A_414 = arith.constant 0 : i32
        %sign3A_415 = arith.cmpi slt, %sub3A_408, %sign3A_414 : i32
        %sign3A_416 = arith.extui %sign3A_415 : i1 to i32
        %sign3A_417 = arith.subi %sign3A_413, %sign3A_416 : i32
        %sign3A_418 = arith.constant 0 : i32
        %sign3A_419 = arith.cmpi sgt, %jit3A_409, %sign3A_418 : i32
        %sign3A_420 = arith.extui %sign3A_419 : i1 to i32
        %sign3A_421 = arith.constant 0 : i32
        %sign3A_422 = arith.cmpi slt, %jit3A_409, %sign3A_421 : i32
        %sign3A_423 = arith.extui %sign3A_422 : i1 to i32
        %sign3A_424 = arith.subi %sign3A_420, %sign3A_423 : i32
        %ne3A_425 = arith.cmpi ne, %sign3A_417, %sign3A_424 : i32
        %rem3A_426 = arith.remsi %sub3A_408, %jit3A_409 : i32
        %ne3A_427 = arith.constant 0 : i32
        %ne3A_428 = arith.cmpi ne, %rem3A_426, %ne3A_427 : i32
        %and3A_429 = arith.andi %ne3A_425, %ne3A_428 : i1
        %sub3A_430 = arith.constant 1 : i32
        %sub3A_431 = arith.subi %div3A_410, %sub3A_430 : i32
        %select_n3A_432 = arith.select %and3A_429, %sub3A_431, %div3A_410 : i32
        %rem3A_433 = arith.constant 2 : i32
        %rem3A_434 = arith.remsi %sub3A_408, %rem3A_433 : i32
        %mul3A_435 = arith.constant 64 : i32
        %mul3A_436 = arith.muli %rem3A_434, %mul3A_435 : i32
        %dma_wait3A_437 = tpu.memref_slice %arg9[%rem3A_282] : memref<8x!tpu.dma_semaphore, #tpu.memory_space<semaphore_mem>> -> memref<1x!tpu.dma_semaphore, #tpu.memory_space<semaphore_mem>>
        %dma_wait3A_438 = tpu.memref_squeeze %dma_wait3A_437 : memref<1x!tpu.dma_semaphore, #tpu.memory_space<semaphore_mem>> -> memref<!tpu.dma_semaphore, #tpu.memory_space<semaphore_mem>>
        %dma_wait3A_439 = arith.constant 0 : i32
        %dma_wait3A_440 = tpu.memref_slice %arg3[%select_n3A_432, %mul3A_436, %dma_wait3A_439] : memref<64x128x4000xf32, #tpu.memory_space<any>> -> memref<1x64x4000xf32, #tpu.memory_space<any>>
        %dma_wait3A_441 = tpu.memref_squeeze %dma_wait3A_440 : memref<1x64x4000xf32, #tpu.memory_space<any>> -> memref<64x4000xf32, #tpu.memory_space<any>>
        %dma_wait3A_442 = arith.constant 0 : i32
        %dma_wait3A_443 = arith.constant 0 : i32
        %dma_wait3A_444 = tpu.memref_slice %arg5[%rem3A_282, %dma_wait3A_442, %dma_wait3A_443] : memref<8x64x4000xf32, #tpu.memory_space<vmem>> -> memref<1x64x4000xf32, #tpu.memory_space<vmem>>
        %dma_wait3A_445 = tpu.memref_squeeze %dma_wait3A_444 : memref<1x64x4000xf32, #tpu.memory_space<vmem>> -> memref<64x4000xf32, #tpu.memory_space<vmem>>
        tpu.wait_dma2 semaphore(%dma_wait3A_438 : memref<!tpu.dma_semaphore, #tpu.memory_space<semaphore_mem>>) src(%dma_wait3A_445 : memref<64x4000xf32, #tpu.memory_space<vmem>>) dst(%dma_wait3A_441 : memref<64x4000xf32, #tpu.memory_space<any>>)
      } else {
      }
      %mul3A_341 = arith.constant 64 : i32
      %mul3A_342 = arith.muli %rem3A_301, %mul3A_341 : i32
      %get3A = arith.index_cast %select_n3A : i32 to index
      %get3A_343 = arith.index_cast %mul3A_342 : i32 to index
      %get3A_344 = arith.constant 0 : index
      %get3A_345 = vector.load %arg7[%get3A, %get3A_343, %get3A_344] : memref<64x128x1xf32, #tpu.memory_space<vmem>>, vector<1x64x1xf32>
      %get3A_346 = vector.shape_cast %get3A_345 : vector<1x64x1xf32> to vector<64x1xf32>
      %get3A_347 = arith.index_cast %rem3A_282 : i32 to index
      %get3A_348 = arith.constant 0 : index
      %get3A_349 = arith.constant 0 : index
      %get3A_350 = vector.load %arg4[%get3A_347, %get3A_348, %get3A_349] : memref<8x64x4000xf32, #tpu.memory_space<vmem>>, vector<1x64x4000xf32>
      %get3A_351 = vector.shape_cast %get3A_350 : vector<1x64x4000xf32> to vector<64x4000xf32>
      %get3A_352 = arith.index_cast %select_n3A : i32 to index
      %get3A_353 = arith.constant 0 : index
      %get3A_354 = vector.load %arg6[%get3A_352, %get3A_353] : memref<64x4000xf32, #tpu.memory_space<vmem>>, vector<1x4000xf32>
      %get3A_355 = vector.shape_cast %get3A_354 : vector<1x4000xf32> to vector<4000xf32>
      %broadcast_in_dim3A = vector.shape_cast %get3A_355 : vector<4000xf32> to vector<1x4000xf32>
      %mul3A_356 = vector.broadcast %broadcast_in_dim3A : vector<1x4000xf32> to vector<64x4000xf32>
      %mul3A_357 = arith.mulf %get3A_351, %mul3A_356 : vector<64x4000xf32>
      %mul3A_358 = vector.broadcast %get3A_346 : vector<64x1xf32> to vector<64x4000xf32>
      %mul3A_359 = arith.mulf %mul3A_357, %mul3A_358 : vector<64x4000xf32>
      %swap3A = arith.index_cast %rem3A_282 : i32 to index
      %swap3A_360 = arith.constant 0 : index
      %swap3A_361 = arith.constant 0 : index
      %swap3A_362 = vector.load %arg5[%swap3A, %swap3A_360, %swap3A_361] : memref<8x64x4000xf32, #tpu.memory_space<vmem>>, vector<1x64x4000xf32>
      %swap3A_363 = vector.shape_cast %swap3A_362 : vector<1x64x4000xf32> to vector<64x4000xf32>
      %swap3A_364 = vector.shape_cast %mul3A_359 : vector<64x4000xf32> to vector<1x64x4000xf32>
      tpu.vector_store %arg5[%swap3A, %swap3A_360, %swap3A_361], %swap3A_364 {strides = array<i32>} : memref<8x64x4000xf32, #tpu.memory_space<vmem>>, vector<1x64x4000xf32>,
      %jit3A_365 = arith.constant 2 : i32
      %div3A_366 = arith.divsi %scan3A_280, %jit3A_365 : i32
      %sign3A_367 = arith.constant 0 : i32
      %sign3A_368 = arith.cmpi sgt, %scan3A_280, %sign3A_367 : i32
      %sign3A_369 = arith.extui %sign3A_368 : i1 to i32
      %sign3A_370 = arith.constant 0 : i32
      %sign3A_371 = arith.cmpi slt, %scan3A_280, %sign3A_370 : i32
      %sign3A_372 = arith.extui %sign3A_371 : i1 to i32
      %sign3A_373 = arith.subi %sign3A_369, %sign3A_372 : i32
      %sign3A_374 = arith.constant 0 : i32
      %sign3A_375 = arith.cmpi sgt, %jit3A_365, %sign3A_374 : i32
      %sign3A_376 = arith.extui %sign3A_375 : i1 to i32
      %sign3A_377 = arith.constant 0 : i32
      %sign3A_378 = arith.cmpi slt, %jit3A_365, %sign3A_377 : i32
      %sign3A_379 = arith.extui %sign3A_378 : i1 to i32
      %sign3A_380 = arith.subi %sign3A_376, %sign3A_379 : i32
      %ne3A_381 = arith.cmpi ne, %sign3A_373, %sign3A_380 : i32
      %rem3A_382 = arith.remsi %scan3A_280, %jit3A_365 : i32
      %ne3A_383 = arith.constant 0 : i32
      %ne3A_384 = arith.cmpi ne, %rem3A_382, %ne3A_383 : i32
      %and3A_385 = arith.andi %ne3A_381, %ne3A_384 : i1
      %sub3A_386 = arith.constant 1 : i32
      %sub3A_387 = arith.subi %div3A_366, %sub3A_386 : i32
      %select_n3A_388 = arith.select %and3A_385, %sub3A_387, %div3A_366 : i32
      %rem3A_389 = arith.constant 2 : i32
      %rem3A_390 = arith.remsi %scan3A_280, %rem3A_389 : i32
      %mul3A_391 = arith.constant 64 : i32
      %mul3A_392 = arith.muli %rem3A_390, %mul3A_391 : i32
      %dma_start3A_393 = tpu.memref_slice %arg9[%rem3A_282] : memref<8x!tpu.dma_semaphore, #tpu.memory_space<semaphore_mem>> -> memref<1x!tpu.dma_semaphore, #tpu.memory_space<semaphore_mem>>
      %dma_start3A_394 = tpu.memref_squeeze %dma_start3A_393 : memref<1x!tpu.dma_semaphore, #tpu.memory_space<semaphore_mem>> -> memref<!tpu.dma_semaphore, #tpu.memory_space<semaphore_mem>>
      %dma_start3A_395 = arith.constant 0 : i32
      %dma_start3A_396 = tpu.memref_slice %arg3[%select_n3A_388, %mul3A_392, %dma_start3A_395] : memref<64x128x4000xf32, #tpu.memory_space<any>> -> memref<1x64x4000xf32, #tpu.memory_space<any>>
      %dma_start3A_397 = tpu.memref_squeeze %dma_start3A_396 : memref<1x64x4000xf32, #tpu.memory_space<any>> -> memref<64x4000xf32, #tpu.memory_space<any>>
      %dma_start3A_398 = arith.constant 0 : i32
      %dma_start3A_399 = arith.constant 0 : i32
      %dma_start3A_400 = tpu.memref_slice %arg5[%rem3A_282, %dma_start3A_398, %dma_start3A_399] : memref<8x64x4000xf32, #tpu.memory_space<vmem>> -> memref<1x64x4000xf32, #tpu.memory_space<vmem>>
      %dma_start3A_401 = tpu.memref_squeeze %dma_start3A_400 : memref<1x64x4000xf32, #tpu.memory_space<vmem>> -> memref<64x4000xf32, #tpu.memory_space<vmem>>
      tpu.enqueue_dma source(%dma_start3A_401 : memref<64x4000xf32, #tpu.memory_space<vmem>>) target(%dma_start3A_397 : memref<64x4000xf32, #tpu.memory_space<any>>) target_semaphore(%dma_start3A_394 : memref<!tpu.dma_semaphore, #tpu.memory_space<semaphore_mem>>)
      %add3A = arith.constant 8 : i32
      %add3A_402 = arith.addi %scan3A_280, %add3A : i32
      %lt3A = arith.constant 128 : i32
      %lt3A_403 = arith.cmpi slt, %add3A_402, %lt3A : i32
      %convert_element_type3A_404 = arith.extui %lt3A_403 : i1 to i32
      %cond3A_405 = arith.constant 0 : i32
      %cond3A_406 = arith.cmpi ne, %convert_element_type3A_404, %cond3A_405 : i32
      scf.if %cond3A_406 {
        %add3A_407 = arith.constant 8 : i32
        %add3A_408 = arith.addi %scan3A_280, %add3A_407 : i32
        %jit3A_409 = arith.constant 2 : i32
        %div3A_410 = arith.divsi %add3A_408, %jit3A_409 : i32
        %sign3A_411 = arith.constant 0 : i32
        %sign3A_412 = arith.cmpi sgt, %add3A_408, %sign3A_411 : i32
        %sign3A_413 = arith.extui %sign3A_412 : i1 to i32
        %sign3A_414 = arith.constant 0 : i32
        %sign3A_415 = arith.cmpi slt, %add3A_408, %sign3A_414 : i32
        %sign3A_416 = arith.extui %sign3A_415 : i1 to i32
        %sign3A_417 = arith.subi %sign3A_413, %sign3A_416 : i32
        %sign3A_418 = arith.constant 0 : i32
        %sign3A_419 = arith.cmpi sgt, %jit3A_409, %sign3A_418 : i32
        %sign3A_420 = arith.extui %sign3A_419 : i1 to i32
        %sign3A_421 = arith.constant 0 : i32
        %sign3A_422 = arith.cmpi slt, %jit3A_409, %sign3A_421 : i32
        %sign3A_423 = arith.extui %sign3A_422 : i1 to i32
        %sign3A_424 = arith.subi %sign3A_420, %sign3A_423 : i32
        %ne3A_425 = arith.cmpi ne, %sign3A_417, %sign3A_424 : i32
        %rem3A_426 = arith.remsi %add3A_408, %jit3A_409 : i32
        %ne3A_427 = arith.constant 0 : i32
        %ne3A_428 = arith.cmpi ne, %rem3A_426, %ne3A_427 : i32
        %and3A_429 = arith.andi %ne3A_425, %ne3A_428 : i1
        %sub3A_430 = arith.constant 1 : i32
        %sub3A_431 = arith.subi %div3A_410, %sub3A_430 : i32
        %select_n3A_432 = arith.select %and3A_429, %sub3A_431, %div3A_410 : i32
        %rem3A_433 = arith.constant 2 : i32
        %rem3A_434 = arith.remsi %add3A_408, %rem3A_433 : i32
        %mul3A_435 = arith.constant 64 : i32
        %mul3A_436 = arith.muli %rem3A_434, %mul3A_435 : i32
        %dma_start3A_437 = tpu.memref_slice %arg8[%rem3A_282] : memref<8x!tpu.dma_semaphore, #tpu.memory_space<semaphore_mem>> -> memref<1x!tpu.dma_semaphore, #tpu.memory_space<semaphore_mem>>
        %dma_start3A_438 = tpu.memref_squeeze %dma_start3A_437 : memref<1x!tpu.dma_semaphore, #tpu.memory_space<semaphore_mem>> -> memref<!tpu.dma_semaphore, #tpu.memory_space<semaphore_mem>>
        %dma_start3A_439 = arith.constant 0 : i32
        %dma_start3A_440 = arith.constant 0 : i32
        %dma_start3A_441 = tpu.memref_slice %arg4[%rem3A_282, %dma_start3A_439, %dma_start3A_440] : memref<8x64x4000xf32, #tpu.memory_space<vmem>> -> memref<1x64x4000xf32, #tpu.memory_space<vmem>>
        %dma_start3A_442 = tpu.memref_squeeze %dma_start3A_441 : memref<1x64x4000xf32, #tpu.memory_space<vmem>> -> memref<64x4000xf32, #tpu.memory_space<vmem>>
        %dma_start3A_443 = arith.constant 0 : i32
        %dma_start3A_444 = tpu.memref_slice %arg0[%select_n3A_432, %mul3A_436, %dma_start3A_443] : memref<64x128x4000xf32, #tpu.memory_space<any>> -> memref<1x64x4000xf32, #tpu.memory_space<any>>
        %dma_start3A_445 = tpu.memref_squeeze %dma_start3A_444 : memref<1x64x4000xf32, #tpu.memory_space<any>> -> memref<64x4000xf32, #tpu.memory_space<any>>
        tpu.enqueue_dma source(%dma_start3A_445 : memref<64x4000xf32, #tpu.memory_space<any>>) target(%dma_start3A_442 : memref<64x4000xf32, #tpu.memory_space<vmem>>) target_semaphore(%dma_start3A_438 : memref<!tpu.dma_semaphore, #tpu.memory_space<semaphore_mem>>)
      } else {
      }
    }
    %scan3A_136 = arith.constant 128 : i32
    %rem3A_137 = arith.constant 120 : i32
    %rem3A_138 = arith.constant 8 : i32
    %rem3A_139 = arith.remsi %rem3A_137, %rem3A_138 : i32
    %rem3A_140 = arith.constant 120 : i32
    %rem3A_141 = arith.constant 2 : i32
    %rem3A_142 = arith.remsi %rem3A_140, %rem3A_141 : i32
    %mul3A_143 = arith.constant 64 : i32
    %mul3A_144 = arith.muli %rem3A_142, %mul3A_143 : i32
    %dma_wait3A = arith.constant 60 : i32
    %dma_wait3A_145 = tpu.memref_slice %arg9[%rem3A_139] : memref<8x!tpu.dma_semaphore, #tpu.memory_space<semaphore_mem>> -> memref<1x!tpu.dma_semaphore, #tpu.memory_space<semaphore_mem>>
    %dma_wait3A_146 = tpu.memref_squeeze %dma_wait3A_145 : memref<1x!tpu.dma_semaphore, #tpu.memory_space<semaphore_mem>> -> memref<!tpu.dma_semaphore, #tpu.memory_space<semaphore_mem>>
    %dma_wait3A_147 = arith.constant 0 : i32
    %dma_wait3A_148 = tpu.memref_slice %arg3[%dma_wait3A, %mul3A_144, %dma_wait3A_147] : memref<64x128x4000xf32, #tpu.memory_space<any>> -> memref<1x64x4000xf32, #tpu.memory_space<any>>
    %dma_wait3A_149 = tpu.memref_squeeze %dma_wait3A_148 : memref<1x64x4000xf32, #tpu.memory_space<any>> -> memref<64x4000xf32, #tpu.memory_space<any>>
    %dma_wait3A_150 = arith.constant 0 : i32
    %dma_wait3A_151 = arith.constant 0 : i32
    %dma_wait3A_152 = tpu.memref_slice %arg5[%rem3A_139, %dma_wait3A_150, %dma_wait3A_151] : memref<8x64x4000xf32, #tpu.memory_space<vmem>> -> memref<1x64x4000xf32, #tpu.memory_space<vmem>>
    %dma_wait3A_153 = tpu.memref_squeeze %dma_wait3A_152 : memref<1x64x4000xf32, #tpu.memory_space<vmem>> -> memref<64x4000xf32, #tpu.memory_space<vmem>>
    tpu.wait_dma2 semaphore(%dma_wait3A_146 : memref<!tpu.dma_semaphore, #tpu.memory_space<semaphore_mem>>) src(%dma_wait3A_153 : memref<64x4000xf32, #tpu.memory_space<vmem>>) dst(%dma_wait3A_149 : memref<64x4000xf32, #tpu.memory_space<any>>)
    %rem3A_154 = arith.constant 121 : i32
    %rem3A_155 = arith.constant 8 : i32
    %rem3A_156 = arith.remsi %rem3A_154, %rem3A_155 : i32
    %rem3A_157 = arith.constant 121 : i32
    %rem3A_158 = arith.constant 2 : i32
    %rem3A_159 = arith.remsi %rem3A_157, %rem3A_158 : i32
    %mul3A_160 = arith.constant 64 : i32
    %mul3A_161 = arith.muli %rem3A_159, %mul3A_160 : i32
    %dma_wait3A_162 = arith.constant 60 : i32
    %dma_wait3A_163 = tpu.memref_slice %arg9[%rem3A_156] : memref<8x!tpu.dma_semaphore, #tpu.memory_space<semaphore_mem>> -> memref<1x!tpu.dma_semaphore, #tpu.memory_space<semaphore_mem>>
    %dma_wait3A_164 = tpu.memref_squeeze %dma_wait3A_163 : memref<1x!tpu.dma_semaphore, #tpu.memory_space<semaphore_mem>> -> memref<!tpu.dma_semaphore, #tpu.memory_space<semaphore_mem>>
    %dma_wait3A_165 = arith.constant 0 : i32
    %dma_wait3A_166 = tpu.memref_slice %arg3[%dma_wait3A_162, %mul3A_161, %dma_wait3A_165] : memref<64x128x4000xf32, #tpu.memory_space<any>> -> memref<1x64x4000xf32, #tpu.memory_space<any>>
    %dma_wait3A_167 = tpu.memref_squeeze %dma_wait3A_166 : memref<1x64x4000xf32, #tpu.memory_space<any>> -> memref<64x4000xf32, #tpu.memory_space<any>>
    %dma_wait3A_168 = arith.constant 0 : i32
    %dma_wait3A_169 = arith.constant 0 : i32
    %dma_wait3A_170 = tpu.memref_slice %arg5[%rem3A_156, %dma_wait3A_168, %dma_wait3A_169] : memref<8x64x4000xf32, #tpu.memory_space<vmem>> -> memref<1x64x4000xf32, #tpu.memory_space<vmem>>
    %dma_wait3A_171 = tpu.memref_squeeze %dma_wait3A_170 : memref<1x64x4000xf32, #tpu.memory_space<vmem>> -> memref<64x4000xf32, #tpu.memory_space<vmem>>
    tpu.wait_dma2 semaphore(%dma_wait3A_164 : memref<!tpu.dma_semaphore, #tpu.memory_space<semaphore_mem>>) src(%dma_wait3A_171 : memref<64x4000xf32, #tpu.memory_space<vmem>>) dst(%dma_wait3A_167 : memref<64x4000xf32, #tpu.memory_space<any>>)
    %rem3A_172 = arith.constant 122 : i32
    %rem3A_173 = arith.constant 8 : i32
    %rem3A_174 = arith.remsi %rem3A_172, %rem3A_173 : i32
    %rem3A_175 = arith.constant 122 : i32
    %rem3A_176 = arith.constant 2 : i32
    %rem3A_177 = arith.remsi %rem3A_175, %rem3A_176 : i32
    %mul3A_178 = arith.constant 64 : i32
    %mul3A_179 = arith.muli %rem3A_177, %mul3A_178 : i32
    %dma_wait3A_180 = arith.constant 61 : i32
    %dma_wait3A_181 = tpu.memref_slice %arg9[%rem3A_174] : memref<8x!tpu.dma_semaphore, #tpu.memory_space<semaphore_mem>> -> memref<1x!tpu.dma_semaphore, #tpu.memory_space<semaphore_mem>>
    %dma_wait3A_182 = tpu.memref_squeeze %dma_wait3A_181 : memref<1x!tpu.dma_semaphore, #tpu.memory_space<semaphore_mem>> -> memref<!tpu.dma_semaphore, #tpu.memory_space<semaphore_mem>>
    %dma_wait3A_183 = arith.constant 0 : i32
    %dma_wait3A_184 = tpu.memref_slice %arg3[%dma_wait3A_180, %mul3A_179, %dma_wait3A_183] : memref<64x128x4000xf32, #tpu.memory_space<any>> -> memref<1x64x4000xf32, #tpu.memory_space<any>>
    %dma_wait3A_185 = tpu.memref_squeeze %dma_wait3A_184 : memref<1x64x4000xf32, #tpu.memory_space<any>> -> memref<64x4000xf32, #tpu.memory_space<any>>
    %dma_wait3A_186 = arith.constant 0 : i32
    %dma_wait3A_187 = arith.constant 0 : i32
    %dma_wait3A_188 = tpu.memref_slice %arg5[%rem3A_174, %dma_wait3A_186, %dma_wait3A_187] : memref<8x64x4000xf32, #tpu.memory_space<vmem>> -> memref<1x64x4000xf32, #tpu.memory_space<vmem>>
    %dma_wait3A_189 = tpu.memref_squeeze %dma_wait3A_188 : memref<1x64x4000xf32, #tpu.memory_space<vmem>> -> memref<64x4000xf32, #tpu.memory_space<vmem>>
    tpu.wait_dma2 semaphore(%dma_wait3A_182 : memref<!tpu.dma_semaphore, #tpu.memory_space<semaphore_mem>>) src(%dma_wait3A_189 : memref<64x4000xf32, #tpu.memory_space<vmem>>) dst(%dma_wait3A_185 : memref<64x4000xf32, #tpu.memory_space<any>>)
    %rem3A_190 = arith.constant 123 : i32
    %rem3A_191 = arith.constant 8 : i32
    %rem3A_192 = arith.remsi %rem3A_190, %rem3A_191 : i32
    %rem3A_193 = arith.constant 123 : i32
    %rem3A_194 = arith.constant 2 : i32
    %rem3A_195 = arith.remsi %rem3A_193, %rem3A_194 : i32
    %mul3A_196 = arith.constant 64 : i32
    %mul3A_197 = arith.muli %rem3A_195, %mul3A_196 : i32
    %dma_wait3A_198 = arith.constant 61 : i32
    %dma_wait3A_199 = tpu.memref_slice %arg9[%rem3A_192] : memref<8x!tpu.dma_semaphore, #tpu.memory_space<semaphore_mem>> -> memref<1x!tpu.dma_semaphore, #tpu.memory_space<semaphore_mem>>
    %dma_wait3A_200 = tpu.memref_squeeze %dma_wait3A_199 : memref<1x!tpu.dma_semaphore, #tpu.memory_space<semaphore_mem>> -> memref<!tpu.dma_semaphore, #tpu.memory_space<semaphore_mem>>
    %dma_wait3A_201 = arith.constant 0 : i32
    %dma_wait3A_202 = tpu.memref_slice %arg3[%dma_wait3A_198, %mul3A_197, %dma_wait3A_201] : memref<64x128x4000xf32, #tpu.memory_space<any>> -> memref<1x64x4000xf32, #tpu.memory_space<any>>
    %dma_wait3A_203 = tpu.memref_squeeze %dma_wait3A_202 : memref<1x64x4000xf32, #tpu.memory_space<any>> -> memref<64x4000xf32, #tpu.memory_space<any>>
    %dma_wait3A_204 = arith.constant 0 : i32
    %dma_wait3A_205 = arith.constant 0 : i32
    %dma_wait3A_206 = tpu.memref_slice %arg5[%rem3A_192, %dma_wait3A_204, %dma_wait3A_205] : memref<8x64x4000xf32, #tpu.memory_space<vmem>> -> memref<1x64x4000xf32, #tpu.memory_space<vmem>>
    %dma_wait3A_207 = tpu.memref_squeeze %dma_wait3A_206 : memref<1x64x4000xf32, #tpu.memory_space<vmem>> -> memref<64x4000xf32, #tpu.memory_space<vmem>>
    tpu.wait_dma2 semaphore(%dma_wait3A_200 : memref<!tpu.dma_semaphore, #tpu.memory_space<semaphore_mem>>) src(%dma_wait3A_207 : memref<64x4000xf32, #tpu.memory_space<vmem>>) dst(%dma_wait3A_203 : memref<64x4000xf32, #tpu.memory_space<any>>)
    %rem3A_208 = arith.constant 124 : i32
    %rem3A_209 = arith.constant 8 : i32
    %rem3A_210 = arith.remsi %rem3A_208, %rem3A_209 : i32
    %rem3A_211 = arith.constant 124 : i32
    %rem3A_212 = arith.constant 2 : i32
    %rem3A_213 = arith.remsi %rem3A_211, %rem3A_212 : i32
    %mul3A_214 = arith.constant 64 : i32
    %mul3A_215 = arith.muli %rem3A_213, %mul3A_214 : i32
    %dma_wait3A_216 = arith.constant 62 : i32
    %dma_wait3A_217 = tpu.memref_slice %arg9[%rem3A_210] : memref<8x!tpu.dma_semaphore, #tpu.memory_space<semaphore_mem>> -> memref<1x!tpu.dma_semaphore, #tpu.memory_space<semaphore_mem>>
    %dma_wait3A_218 = tpu.memref_squeeze %dma_wait3A_217 : memref<1x!tpu.dma_semaphore, #tpu.memory_space<semaphore_mem>> -> memref<!tpu.dma_semaphore, #tpu.memory_space<semaphore_mem>>
    %dma_wait3A_219 = arith.constant 0 : i32
    %dma_wait3A_220 = tpu.memref_slice %arg3[%dma_wait3A_216, %mul3A_215, %dma_wait3A_219] : memref<64x128x4000xf32, #tpu.memory_space<any>> -> memref<1x64x4000xf32, #tpu.memory_space<any>>
    %dma_wait3A_221 = tpu.memref_squeeze %dma_wait3A_220 : memref<1x64x4000xf32, #tpu.memory_space<any>> -> memref<64x4000xf32, #tpu.memory_space<any>>
    %dma_wait3A_222 = arith.constant 0 : i32
    %dma_wait3A_223 = arith.constant 0 : i32
    %dma_wait3A_224 = tpu.memref_slice %arg5[%rem3A_210, %dma_wait3A_222, %dma_wait3A_223] : memref<8x64x4000xf32, #tpu.memory_space<vmem>> -> memref<1x64x4000xf32, #tpu.memory_space<vmem>>
    %dma_wait3A_225 = tpu.memref_squeeze %dma_wait3A_224 : memref<1x64x4000xf32, #tpu.memory_space<vmem>> -> memref<64x4000xf32, #tpu.memory_space<vmem>>
    tpu.wait_dma2 semaphore(%dma_wait3A_218 : memref<!tpu.dma_semaphore, #tpu.memory_space<semaphore_mem>>) src(%dma_wait3A_225 : memref<64x4000xf32, #tpu.memory_space<vmem>>) dst(%dma_wait3A_221 : memref<64x4000xf32, #tpu.memory_space<any>>)
    %rem3A_226 = arith.constant 125 : i32
    %rem3A_227 = arith.constant 8 : i32
    %rem3A_228 = arith.remsi %rem3A_226, %rem3A_227 : i32
    %rem3A_229 = arith.constant 125 : i32
    %rem3A_230 = arith.constant 2 : i32
    %rem3A_231 = arith.remsi %rem3A_229, %rem3A_230 : i32
    %mul3A_232 = arith.constant 64 : i32
    %mul3A_233 = arith.muli %rem3A_231, %mul3A_232 : i32
    %dma_wait3A_234 = arith.constant 62 : i32
    %dma_wait3A_235 = tpu.memref_slice %arg9[%rem3A_228] : memref<8x!tpu.dma_semaphore, #tpu.memory_space<semaphore_mem>> -> memref<1x!tpu.dma_semaphore, #tpu.memory_space<semaphore_mem>>
    %dma_wait3A_236 = tpu.memref_squeeze %dma_wait3A_235 : memref<1x!tpu.dma_semaphore, #tpu.memory_space<semaphore_mem>> -> memref<!tpu.dma_semaphore, #tpu.memory_space<semaphore_mem>>
    %dma_wait3A_237 = arith.constant 0 : i32
    %dma_wait3A_238 = tpu.memref_slice %arg3[%dma_wait3A_234, %mul3A_233, %dma_wait3A_237] : memref<64x128x4000xf32, #tpu.memory_space<any>> -> memref<1x64x4000xf32, #tpu.memory_space<any>>
    %dma_wait3A_239 = tpu.memref_squeeze %dma_wait3A_238 : memref<1x64x4000xf32, #tpu.memory_space<any>> -> memref<64x4000xf32, #tpu.memory_space<any>>
    %dma_wait3A_240 = arith.constant 0 : i32
    %dma_wait3A_241 = arith.constant 0 : i32
    %dma_wait3A_242 = tpu.memref_slice %arg5[%rem3A_228, %dma_wait3A_240, %dma_wait3A_241] : memref<8x64x4000xf32, #tpu.memory_space<vmem>> -> memref<1x64x4000xf32, #tpu.memory_space<vmem>>
    %dma_wait3A_243 = tpu.memref_squeeze %dma_wait3A_242 : memref<1x64x4000xf32, #tpu.memory_space<vmem>> -> memref<64x4000xf32, #tpu.memory_space<vmem>>
    tpu.wait_dma2 semaphore(%dma_wait3A_236 : memref<!tpu.dma_semaphore, #tpu.memory_space<semaphore_mem>>) src(%dma_wait3A_243 : memref<64x4000xf32, #tpu.memory_space<vmem>>) dst(%dma_wait3A_239 : memref<64x4000xf32, #tpu.memory_space<any>>)
    %rem3A_244 = arith.constant 126 : i32
    %rem3A_245 = arith.constant 8 : i32
    %rem3A_246 = arith.remsi %rem3A_244, %rem3A_245 : i32
    %rem3A_247 = arith.constant 126 : i32
    %rem3A_248 = arith.constant 2 : i32
    %rem3A_249 = arith.remsi %rem3A_247, %rem3A_248 : i32
    %mul3A_250 = arith.constant 64 : i32
    %mul3A_251 = arith.muli %rem3A_249, %mul3A_250 : i32
    %dma_wait3A_252 = arith.constant 63 : i32
    %dma_wait3A_253 = tpu.memref_slice %arg9[%rem3A_246] : memref<8x!tpu.dma_semaphore, #tpu.memory_space<semaphore_mem>> -> memref<1x!tpu.dma_semaphore, #tpu.memory_space<semaphore_mem>>
    %dma_wait3A_254 = tpu.memref_squeeze %dma_wait3A_253 : memref<1x!tpu.dma_semaphore, #tpu.memory_space<semaphore_mem>> -> memref<!tpu.dma_semaphore, #tpu.memory_space<semaphore_mem>>
    %dma_wait3A_255 = arith.constant 0 : i32
    %dma_wait3A_256 = tpu.memref_slice %arg3[%dma_wait3A_252, %mul3A_251, %dma_wait3A_255] : memref<64x128x4000xf32, #tpu.memory_space<any>> -> memref<1x64x4000xf32, #tpu.memory_space<any>>
    %dma_wait3A_257 = tpu.memref_squeeze %dma_wait3A_256 : memref<1x64x4000xf32, #tpu.memory_space<any>> -> memref<64x4000xf32, #tpu.memory_space<any>>
    %dma_wait3A_258 = arith.constant 0 : i32
    %dma_wait3A_259 = arith.constant 0 : i32
    %dma_wait3A_260 = tpu.memref_slice %arg5[%rem3A_246, %dma_wait3A_258, %dma_wait3A_259] : memref<8x64x4000xf32, #tpu.memory_space<vmem>> -> memref<1x64x4000xf32, #tpu.memory_space<vmem>>
    %dma_wait3A_261 = tpu.memref_squeeze %dma_wait3A_260 : memref<1x64x4000xf32, #tpu.memory_space<vmem>> -> memref<64x4000xf32, #tpu.memory_space<vmem>>
    tpu.wait_dma2 semaphore(%dma_wait3A_254 : memref<!tpu.dma_semaphore, #tpu.memory_space<semaphore_mem>>) src(%dma_wait3A_261 : memref<64x4000xf32, #tpu.memory_space<vmem>>) dst(%dma_wait3A_257 : memref<64x4000xf32, #tpu.memory_space<any>>)
    %rem3A_262 = arith.constant 127 : i32
    %rem3A_263 = arith.constant 8 : i32
    %rem3A_264 = arith.remsi %rem3A_262, %rem3A_263 : i32
    %rem3A_265 = arith.constant 127 : i32
    %rem3A_266 = arith.constant 2 : i32
    %rem3A_267 = arith.remsi %rem3A_265, %rem3A_266 : i32
    %mul3A_268 = arith.constant 64 : i32
    %mul3A_269 = arith.muli %rem3A_267, %mul3A_268 : i32
    %dma_wait3A_270 = arith.constant 63 : i32
    %dma_wait3A_271 = tpu.memref_slice %arg9[%rem3A_264] : memref<8x!tpu.dma_semaphore, #tpu.memory_space<semaphore_mem>> -> memref<1x!tpu.dma_semaphore, #tpu.memory_space<semaphore_mem>>
    %dma_wait3A_272 = tpu.memref_squeeze %dma_wait3A_271 : memref<1x!tpu.dma_semaphore, #tpu.memory_space<semaphore_mem>> -> memref<!tpu.dma_semaphore, #tpu.memory_space<semaphore_mem>>
    %dma_wait3A_273 = arith.constant 0 : i32
    %dma_wait3A_274 = tpu.memref_slice %arg3[%dma_wait3A_270, %mul3A_269, %dma_wait3A_273] : memref<64x128x4000xf32, #tpu.memory_space<any>> -> memref<1x64x4000xf32, #tpu.memory_space<any>>
    %dma_wait3A_275 = tpu.memref_squeeze %dma_wait3A_274 : memref<1x64x4000xf32, #tpu.memory_space<any>> -> memref<64x4000xf32, #tpu.memory_space<any>>
    %dma_wait3A_276 = arith.constant 0 : i32
    %dma_wait3A_277 = arith.constant 0 : i32
    %dma_wait3A_278 = tpu.memref_slice %arg5[%rem3A_264, %dma_wait3A_276, %dma_wait3A_277] : memref<8x64x4000xf32, #tpu.memory_space<vmem>> -> memref<1x64x4000xf32, #tpu.memory_space<vmem>>
    %dma_wait3A_279 = tpu.memref_squeeze %dma_wait3A_278 : memref<1x64x4000xf32, #tpu.memory_space<vmem>> -> memref<64x4000xf32, #tpu.memory_space<vmem>>
    tpu.wait_dma2 semaphore(%dma_wait3A_272 : memref<!tpu.dma_semaphore, #tpu.memory_space<semaphore_mem>>) src(%dma_wait3A_279 : memref<64x4000xf32, #tpu.memory_space<vmem>>) dst(%dma_wait3A_275 : memref<64x4000xf32, #tpu.memory_space<any>>)
    return
  }
}

</mosaic_0001>

<sc_bundles>
// kernel: sparse-core-data-format-call.cloned.1.call-start
scs
called_computation_lowered:
.L_overlay_start_0:
0x0: {  	s2 =	sld [smem:$0x3FD9]  }
0x1: {  	s3 =	sld [smem:$0x3FFE];
	_ =	sdelay $0x1  }
0x2: {  	s1 =	srdreg.scid  }
0x3: {  	s0 =	sand.u32 $0x1, s1  }
0x4: {  	s18 =	sshll.u32 s0, $0xA;
	s2 =	sadd.s32 s3, s2  }
0x5: {  	s2 =	sadd.s32 s2, s18  }
0x6: {  	[smem:$0x3FC7] =	sst s2  }
0x7: {  	_ = 	snop  }
0x8: {  	s2 =	sld [smem:$0x3FD0];
	(tm) =	ssettm $0x1  }
0x9: {  	s19 =	sld [smem:$0x3FFB];
	_ =	sdelay $0x3  }
0xa: {  	_ =	strace s19  }
0xb: {  	s3 =	sld [smem:$0x3FFC];
	_ =	sdelay $0x3  }
0xc: {  	_ =	strace s3  }
0xd: {  	s3 =	sld [smem:$0x3FFD];
	_ =	sdelay $0x3  }
0xe: {  	_ =	strace s3  }
0xf: {  	_ =	strace $0x8FFFFFFF  }
0x10: {  	s20 =	sld [smem:$0x3FDB];
	_ =	sdelay $0x1  }
0x11: {  	s4 =	simm.s32 $_scs_section_size  }
0x12: {  	s5 =	simm.s32 $_size__tile_overlayer_lowered;
	s6 =	simm.s32 $_tile_overlayer_lowered  }
0x13: {  	s23 =	simm.s32 $0x1BFF;
	s22 =	sshll.u32 s6, $0x1;
	s3 =	sadd.s32 s4, s20  }
0x14: {  	s7 =	simm.s32 $0x0;
	s21 =	sshll.u32 s5, $0x1;
	s5 =	sadd.s32 s22, s3  }
0x15: {  	[timem:s7], [sflag:s23] =	dma.local [hbm:s5], s21  }
0x16: {  	_ =	swait.ge [sflag:s23], s21  }
0x17: {  	s4 =	ssub.s32 $0x0, s21;
	[sflag:s23] =	ssyncset.done $0x0  }
0x18: {  	[sflag:s23] =	ssyncadd.s32 s4;
	_ =	sdelay $0x1  }
0x19: {  	s24 =	simm.s32 $0x1B8B  }
0x1a: {  	_ =	swait.ge [sflag:s24], $0x1  }
0x1b: {  	[sflag:s24] =	ssyncset.done $0x0  }
0x1c: {  	s26 =	simm.s32 $0x1B8E;
	s25 =	sld [smem:$0x3FFE];
	[sflag:s24] =	ssyncadd.s32 $0xFFFFFFFF  }
0x1d: {  	s27 =	simm.s32 $execute0_lowered;
	[smem:$0x3FD2] =	sst s26  }
0x1e: {  	s5 =	sshll.u32 s27, $0x1;
	_ =	strace $0x80000046;
	[dreg:$0x1] =	wrdreg $0xFFFFFFFF  }
0x1f: {  	s28 =	simm.s32 $_size_execute0_lowered;
	s3 =	sadd.s32 s3, s5;
	[dreg:$0x0] =	wrdreg $0x0  }
0x20: {  	s5 =	sshll.u32 s28, $0x1;
	[dreg:$0x2] =	wrdreg s3  }
0x21: {  	[dreg:$0x3] =	wrdreg s5  }
0x22: {  	[dreg:$0x4] =	wrdreg $0xC0  }
0x23: {  	_ =	task [dreg:s7], $0x5FFFF  }
0x24: {  	[dreg:$0x1] =	wrdreg $0xFFFFFFFF  }
0x25: {  	[dreg:$0x0] =	wrdreg $0x60  }
0x26: {  	[dreg:$0x2] =	wrdreg s25  }
0x27: {  	[dreg:$0x3] =	wrdreg s2  }
0x28: {  	[dreg:$0x4] =	wrdreg $0x9  }
0x29: {  	_ =	task.clear_ibuf [dreg:s7], $0x5FFFF;
	_ =	strace $0x90000046  }
0x2a: {  	s29 =	simm.s32 $0x9;
	_ =	strace $0x80000048  }
0x2b: {  	_ =	swait.ge [sflag:s29], $0x1  }
0x2c: {  	[sflag:s29] =	ssyncadd.s32 $0xFFFFFFFF  }
0x2d: {  	_ =	strace $0x90000048  }
0x2e: {  	_ =	sfence  }
0x2f: {  	s30 =	sld [smem:$0x0];
	_ =	sdelay $0x2  }
0x30: {  	s31 =	sshll.u32 s1, $0xD;
	s1 =	sshrl.u32 s1, $0x2  }
0x31: {  	s3 =	sand.u32 $0x4000, s31;
	s1 =	sadd.s32 s1, s30  }
0x32: {  	s0 =	sor.u32 s3, s0;
	s1 =	sshll.u32 s1, $0x11  }
0x33: {  	s0 =	sor.u32 s1, s0  }
0x34: {  	s0 =	sadd.s32 $0x8F2B, s0  }
0x35: {  	[sflag:s0] =	ssyncadd.remote.s32 $0x1  }
0x36: {  	_ =	sfence.sel $0xFFFF  }
0x37: {  	[dreg:$0x0] =	wrdreg $0xFFFFFFFF;
	(pc) =	sbr.abs _section_cstart, $3  }
0x38: {  	[dreg:$0x1] =	wrdreg $0xFFFFFFFF  }
0x39: {  	_ =	task.clear_ibuf [dreg:s7], $0x2FFFF;
	_ =	strace $0x9FFFFFFF  }
0x3a: {  	(tm) =	ssettm $0x7FFFFFFF  }
0x3b: {  	_ =	shalt  }
tec
execute0_lowered:
.L_overlay_start_1:
0x0: {  	(tag) =	ssettag $0x1  }
0x1: {  	s1 =	rddreg [dreg:$0x0]  }
0x2: {  	s2 =	rddreg [dreg:$0x1]  }
0x3: {  	s0 =	rddreg [dreg:$0x2];
	_ =	strace $0x80000047;
	s4 =	srdreg.scid  }
0x4: {  	s6 =	simm.s32 $0x2;
	s14 =	simm.s32 $0x0;
	p0 =	por $0x0, $0x0  }
0x5: {  	s13 =	simm.s32 $0x0;
	s15 =	simm.s32 $0x0;
	s8 =	simm.s32 $0x0  }
.Ltmp0:
0x6: {  	s9 =	simm.s32 $0x0;
	s10 =	simm.s32 $0x0;
	(pc) =	sbr.rel .LBB1_1-.Ltmp0, $4  }
0x7: {  	s11 =	simm.s32 $0x0;
	s3 =	sadd.s32 $0x402E00, s1;
	s5 =	sshll.u32 s4, $0x4  }
0x8: {  	s1 =	stileid.u32;
	s4 =	simm.s32 $0x1;
	s5 =	sand.u32 $0x10, s5  }
0x9: {  	s7 =	simm.s32 $0x0;
	[sflag:s4] =	ssyncpa.u1 $0x0;
	s5 =	sor.u32 s1, s5  }
0xa: {  	[sflag:s6] =	ssyncpa.u1 $0x0;
	s6 =	simm.s32 $0x0;
	s12 =	smov.u32 s5  }
.LBB1_5:
0xb: {  	p1 =	slt.u32 s7, $0x2  }
0xc: {  	p2 =	sgt.s32 @!p1 s15, $0x3F  }
0xd: {  	s16 =	smov.u32 s15;
	s17 =	sshra.s32 @!p1 s15, $0x1F;
	p2 =	por !p2, p1  }
0xe: {  	s15 =	sand.u32 @!p1 s17, s15;
	s16 =	simm.s32 @p2 $0x3F  }
0xf: {  	p3 =	sgt.s32 @!p1 s14, $0xF20;
	s15 =	ssub.s32 @!p1 s16, s15  }
0x10: {  	p3 =	por !p3, p1;
	s17 =	smov.u32 s14;
	s16 =	sadd.s32 @!p1 $0xFFFFFFC1, s15  }
0x11: {  	s15 =	ssub.s32 @!p1 $0x40, s15;
	p2 =	sgt.s32 @!p1 s16, $0x0;
	s16 =	sshra.s32 @!p1 s14, $0x1F  }
0x12: {  	s14 =	sand.u32 @!p1 s16, s14;
	s16 =	ssub.s32 @!p1 $0x0, s13;
	p2 =	por !p2, p1  }
0x13: {  	s17 =	simm.s32 @p3 $0xF20;
	s13 =	smin.u32 @!p1 s13, s16;
	s15 =	simm.s32 @!p2 $0x0  }
0x14: {  	s14 =	ssub.s32 @!p1 s17, s14;
	s17 =	smov.u32 s11;
	p2 =	sgt.s32 @!p1 s13, $0x7F  }
0x15: {  	s16 =	sadd.s32 @!p1 $0xFFFFF0E0, s14;
	s13 =	ssub.s32 @!p1 $0x80, s13;
	p2 =	por !p2, p1  }
0x16: {  	s14 =	ssub.s32 @!p1 $0xFA0, s14;
	p3 =	sgt.s32 @!p1 s16, $0x7F;
	s13 =	simm.s32 @!p2 $0x0  }
0x17: {  	s16 =	sadd.s32 $0x80, s10;
	p2 =	por !p3, p1;
	s13 =	smul.u32 @!p1 s15, s13  }
0x18: {  	s14 =	simm.s32 @!p2 $0x0;
	p2 =	sgt.s32 s16, $0xF9F;
	s15 =	sadd.s32 $0x80, s11  }
0x19: {  	s18 =	smov.u32 s12;
	s17 =	smov.u32 @p2 s15  }
0x1a: {  	s13 =	smul.u32 @!p1 s14, s13;
	p3 =	sgt.s32 s17, $0x7F;
	s14 =	sadd.s32 $0x20, s12  }
0x1b: {  	s7 =	sadd.s32 $0x1, s7;
	p0 =	por !p0, !p0;
	s18 =	smov.u32 @p3 s14  }
0x1c: {  	s19 =	simm.s32 @!p1 $0x2;
	s16 =	simm.s32 @p2 $0x0;
	p2 =	sgt.s32 s18, $0x3F  }
0x1d: {  	s15 =	smov.u32 s9;
	s18 =	smov.u32 @p2 s5;
	p2 =	sne.s32 s7, $0x42  }
.Ltmp1:
0x1e: {  	s9 =	smov.u32 s12;
	s17 =	simm.s32 @p3 $0x0;
	(pc) =	sbr.rel @!p2 .LBB1_6-.Ltmp1, $4  }
0x1f: {  	s14 =	smov.u32 s6;
	s6 =	smov.u32 s10;
	s13 =	sand.u32 @!p1 $0x3FFFFFFF, s13  }
0x20: {  	s10 =	smov.u32 s16;
	_ =	swait.ge @!p1 [sflag:s19], s13;
	s20 =	ssub.s32 @!p1 $0x0, s13  }
0x21: {  	s13 =	smov.u32 s8;
	s8 =	smov.u32 s11;
	[sflag:s19] =	ssyncset.done @!p1 $0x0  }
0x22: {  	s11 =	smov.u32 s17;
	s12 =	smov.u32 s18;
	[sflag:s19] =	ssyncadd.s32 @!p1 s20  }
.LBB1_1:
0x23: {  	p1 =	sgt.u32 s7, $0x3F  }
0x24: {  	s16 =	sxor.u32 @!p1 $0xFFFFFFFF, s7;
	s17 =	sand.u32 @!p1 $0x78, s10;
	s18 =	sshll.u32 @!p1 s11, $0xC  }
0x25: {  	s19 =	sshll.u32 @!p1 s11, $0x7;
	s20 =	sshll.u32 @!p1 s10, $0x3;
	s16 =	sshll.u32 @!p1 s16, $0xE  }
0x26: {  	s18 =	sand.u32 @!p1 $0x78000, s18;
	s19 =	sand.u32 @!p1 $0x380, s19;
	s16 =	sand.u32 @!p1 $0x4000, s16  }
0x27: {  	s18 =	sadd.s32 @!p1 s18, s20;
	s20 =	sand.u32 @!p1 $0xC00, s20;
	s17 =	sor.u32 @!p1 s19, s17  }
0x28: {  	s19 =	sshll.u32 @!p1 s12, $0x10;
	s17 =	sor.u32 @!p1 s20, s17;
	s18 =	sshrl.u32 @!p1 s18, $0x3  }
0x29: {  	s19 =	sadd.s32 @!p1 s3, s19;
	s20 =	sand.u32 @!p1 $0x7, s10;
	s18 =	sand.u32 @!p1 $0xFE00, s18  }
0x2a: {  	s17 =	sshrl.u32 @!p1 s17, $0x3;
	s18 =	sadd.s32 @!p1 s18, s19;
	s19 =	sshll.u32 @!p1 s20, $0x12  }
0x2b: {  	s17 =	sadd.s32 @!p1 s17, s18;
	s18 =	sor.u32 @!p1 $0x400, s19;
	s19 =	simm.s32 @!p1 $0x8000  }
0x2c: {  	[tilespmem:s16], [sflag:$0x1] =	stream.strided.gather @!p1 [hbm4b:s17+s18], $0x4000, s19, s18, $0x38;
	[tilespmem:$0x10100] =	vst v63  }
0x2d: {  	p1 =	seq.s32 s7, $0x0  }
0x2e: {  	p2 =	seq.s32 @!p1 s7, $0x41  }
0x2f: {  	p1 =	por p1, p2  }
.Ltmp2:
0x30: {  	_ = 	snop;
	(pc) =	sbr.rel @p1 .LBB1_5-.Ltmp2, $1  }
0x31: {  	_ =	sdelay $0x3  }
0x32: {  	s16 =	simm.s32 $0x1  }
0x33: {  	_ =	swait.ge [sflag:s4], $0x4000;
	s16 =	simm.s32 @!p0 $0x0  }
0x34: {  	[sflag:s4] =	ssyncset.done $0x0;
	s17 =	sshll.u32 s16, $0xE  }
0x35: {  	[sflag:s4] =	ssyncadd.s32 $0xFFFFC000;
	s17 =	sor.u32 $0x40, s17  }
0x36: {  	s16 =	smul.u32 $0x10200, s16;
	v0 =	vld [tilespmem:s17+$0x30]  }
0x37: {  	v1 =	vld [tilespmem:s17+$0xFFFFFFD0]  }
0x38: {  	s16 =	sshrl.u32 s16, $0x2;
	v5 =	vld [tilespmem:s17+$0xFFFFFFE0]  }
0x39: {  	v6 =	vld [tilespmem:s17+$0xFFFFFFF0];
	s19 =	sor.u32 $0x8000, s16  }
0x3a: {  	s31 =	sand.u32 $0x1, s7;
	v4 =	vld [tilespmem:s17+$0x0];
	s18 =	sadd.s32 $0x0, s19  }
0x3b: {  	v3 =	vld [tilespmem:s17+$0x10];
	s16 =	smul.u32 $0x10200, s31;
	[tilespmem:s18+$0x3870 ss:$0x81] =	vst.msk $0xffff, v0  }
0x3c: {  	v2 =	vld [tilespmem:s17+$0x20];
	[tilespmem:s18+$0x810 ss:$0x81] =	vst.msk $0xffff, v1  }
0x3d: {  	s16 =	sshrl.u32 s16, $0x2;
	v0 =	vld [tilespmem:s17+$0xFFFFFFC0];
	[tilespmem:s18+$0x1020 ss:$0x81] =	vst.msk $0xffff, v5;
	s17 =	sadd.s32 $0x80, s17  }
0x3e: {  	s20 =	simm.s32 $0x4;
	s21 =	simm.s32 $0x8;
	s16 =	sor.u32 $0x8000, s16;
	[tilespmem:s18+$0x1830 ss:$0x81] =	vst.msk $0xffff, v6;
	v1 =	vld [tilespmem:s17+$0x30]  }
.LBB1_3:
0x3f: {  	p1 =	sne.s32 s21, $0x1FC;
	v5 =	vld [tilespmem:s17+$0xFFFFFFD0];
	[tilespmem:s18+$0x2040 ss:$0x81] =	vst.msk $0xffff, v4  }
0x40: {  	v6 =	vld [tilespmem:s17+$0xFFFFFFE0];
	[tilespmem:s18+$0x2850 ss:$0x81] =	vst.msk $0xffff, v3  }
0x41: {  	s22 =	sshra.s32 s20, $0x2;
	s20 =	smov.u32 s21;
	v7 =	vld [tilespmem:s17+$0xFFFFFFF0];
	[tilespmem:s18+$0x3060 ss:$0x81] =	vst.msk $0xffff, v2  }
.Ltmp3:
0x42: {  	v4 =	vld [tilespmem:s17+$0x0];
	[tilespmem:s18+$0x0 ss:$0x81] =	vst.msk $0xffff, v0;
	s18 =	sadd.s32 s22, s19;
	(pc) =	sbr.rel @p1 .LBB1_3-.Ltmp3, $4  }
0x43: {  	v3 =	vld [tilespmem:s17+$0x10];
	[tilespmem:s18+$0x3870 ss:$0x81] =	vst.msk $0xffff, v1  }
0x44: {  	[tilespmem:s18+$0x810 ss:$0x81] =	vst.msk $0xffff, v5;
	v2 =	vld [tilespmem:s17+$0x20]  }
0x45: {  	v0 =	vld [tilespmem:s17+$0xFFFFFFC0];
	[tilespmem:s18+$0x1020 ss:$0x81] =	vst.msk $0xffff, v6;
	s17 =	sadd.s32 $0x80, s17  }
0x46: {  	s21 =	sadd.s32 $0x4, s21;
	v1 =	vld [tilespmem:s17+$0x30];
	[tilespmem:s18+$0x1830 ss:$0x81] =	vst.msk $0xffff, v7  }
0x47: {  	s21 =	sshll.u32 s6, $0x7  }
0x48: {  	s22 =	sshll.u32 s8, $0x3;
	p1 =	sgt.s32 s9, $0x3F;
	s27 =	sshra.s32 s9, $0x1F  }
0x49: {  	s20 =	sshra.s32 s20, $0x2;
	s23 =	sand.u32 $0xFFFFFC00, s21;
	s22 =	sand.u32 $0xFFFFFC00, s22  }
0x4a: {  	s30 =	ssub.s32 $0x0, s8;
	s21 =	sand.u32 $0x380, s21;
	s22 =	sadd.s32 s22, s23  }
0x4b: {  	[tilespmem:s18+$0x2040 ss:$0x81] =	vst.msk $0xffff, v4;
	s31 =	sshra.s32 s6, $0x1F;
	s21 =	sor.u32 s21, s22;
	s22 =	smov.u32 s9  }
0x4c: {  	s19 =	sadd.s32 s20, s19;
	[tilespmem:s18+$0x2850 ss:$0x81] =	vst.msk $0xffff, v3;
	s23 =	sand.u32 s27, s9;
	s22 =	simm.s32 @!p1 $0x3F  }
0x4d: {  	v5 =	vld [tilespmem:s17+$0xFFFFFFD0];
	[tilespmem:s18+$0x3060 ss:$0x81] =	vst.msk $0xffff, v2;
	s27 =	smul.u32 $0xFA00, s9;
	s21 =	sshrl.u32 s21, $0x7;
	s22 =	ssub.s32 s22, s23  }
0x4e: {  	v58 =	vld [tilespmem:s17+$0xFFFFFFE0];
	[tilespmem:s18+$0x0 ss:$0x81] =	vst.msk $0xffff, v0;
	s18 =	sand.u32 s31, s6;
	s24 =	smulhi.u32 $0x20C49BB, s21;
	s28 =	sadd.s32 $0xFFFFFFC1, s22  }
0x4f: {  	v59 =	vld [tilespmem:s17+$0xFFFFFFF0];
	s20 =	ssub.s32 $0x40, s22;
	s22 =	smov.u32 s6;
	p1 =	sgt.s32 s28, $0x0  }
0x50: {  	v60 =	vld [tilespmem:s17+$0x0];
	s29 =	sshrl.u32 s24, $0x5;
	s20 =	simm.s32 @p1 $0x0;
	p1 =	sgt.s32 s6, $0xF20  }
0x51: {  	v61 =	vld [tilespmem:s17+$0x10];
	[tilespmem:s19+$0x3870 ss:$0x81] =	vst.msk $0xffff, v1;
	s24 =	smin.u32 s8, s30;
	s28 =	sshrl.u32 s8, $0x3;
	s22 =	simm.s32 @!p1 $0xF20  }
0x52: {  	v62 =	vld [tilespmem:s17+$0x20];
	[tilespmem:s19+$0x810 ss:$0x81] =	vst.msk $0xffff, v5;
	p1 =	sgt.s32 s24, $0x7F;
	s24 =	ssub.s32 $0x80, s24;
	s18 =	ssub.s32 s22, s18  }
0x53: {  	v63 =	vld [tilespmem:s17+$0xFFFFFFC0];
	[tilespmem:s19+$0x1020 ss:$0x81] =	vst.msk $0xffff, v58;
	s23 =	smul.u32 $0xFA0, s29;
	s24 =	simm.s32 @p1 $0x0;
	s26 =	sadd.s32 $0xFFFFF0E0, s18  }
0x54: {  	[tilespmem:s19+$0x1830 ss:$0x81] =	vst.msk $0xffff, v59;
	s25 =	smul.u32 s20, s24;
	s18 =	ssub.s32 $0xFA0, s18;
	p1 =	sgt.s32 s26, $0x7F  }
.Ltmp4:
0x55: {  	[tilespmem:s19+$0x2040 ss:$0x81] =	vst.msk $0xffff, v60;
	s29 =	sand.u32 $0xF, s28;
	s18 =	simm.s32 @p1 $0x0;
	(pc) =	sbr.rel .LBB1_5-.Ltmp4, $4  }
0x56: {  	[tilespmem:s19+$0x2850 ss:$0x81] =	vst.msk $0xffff, v61;
	s21 =	ssub.s32 s21, s23;
	s20 =	sadd.s32 s2, s27;
	s17 =	smul.u32 s18, s25  }
0x57: {  	[tilespmem:s19+$0x3060 ss:$0x81] =	vst.msk $0xffff, v62;
	s30 =	sshll.u32 s21, $0x4;
	s18 =	sadd.s32 s29, s20  }
0x58: {  	s31 =	sand.u32 $0x7, s8;
	[tilespmem:s19+$0x0 ss:$0x81] =	vst.msk $0xffff, v63;
	s18 =	sadd.s32 s30, s18;
	s17 =	sand.u32 $0x3FFFFFFF, s17  }
0x59: {  	[hbm4b:s18+s31] =	stream.linear.scatter [tilespmem:s16], [sflag:$0x2], s17, $0x20;
	[tilespmem:$0x10100] =	vst v63  }
.LBB1_6:
0x5a: {  	_ =	sfence.sel $0x180000  }
0x5b: {  	s2 =	simm.s32 $0x1;
	[bflag:$0x0] =	sbarrier.arrive $0xFFFF  }
0x5c: {  	s31 =	simm.s32 $0x2;
	[sflag:s2] =	ssyncpa.u1 $0x1  }
0x5d: {  	[sflag:s31] =	ssyncpa.u1 $0x1  }
0x5e: {  	p0 =	sne.s32 s1, $0x0;
	_ =	strace $0x90000047  }
0x5f: {  	s0 =	sadd.s32 @!p0 $0x100000, s0;
	[bflag:$0x2] =	sbarrier.arrive $0xFFFF  }
0x60: {  	[sflag:s0] =	ssyncadd.tile.s32 @!p0 $0x1;
	_ =	shalt  }
.Lfunc_end1:
_tile_overlayer_lowered:
.L_overlay_start_2:
0x61: {  	(tag) =	ssettag $0x2  }
0x62: {  	s0 =	rddreg [dreg:$0x0];
	s2 =	stileid.u32  }
0x63: {  	s1 =	rddreg [dreg:$0x1];
	p0 =	sne.s32 s2, $0x0  }
0x64: {  	s3 =	rddreg [dreg:$0x2];
	[bflag:$0x3] =	sbarrier.arrive $0xFFFF;
	s2 =	simm.s32 @!p0 $0x1C01  }
0x65: {  	[timem:s3], [sflag:s2] =	dma.local @!p0 [hbm:s0], s1  }
0x66: {  	s0 =	simm.s32 @!p0 $0x1  }
0x67: {  	_ =	swait.ge @!p0 [sflag:s0], s1  }
0x68: {  	s1 =	ssub.s32 @!p0 $0x0, s1;
	[sflag:s0] =	ssyncset.done @!p0 $0x0  }
0x69: {  	[sflag:s0] =	ssyncadd.s32 @!p0 s1  }
0x6a: {  	[bflag:$0x3] =	sbarrier.arrive $0xFFFF  }
0x6b: {  	_ =	shalt  }

</sc_bundles>
